<compile_context>
chip_gen: v7x
topology: tpu7x:2x2x1
jax: 0.10.2.dev20260603
libtpu: 0.0.44.dev20260713+nightly
codegen_flags: <defaults>
</compile_context>

<pallas_src>
import functools

import jax
import jax.numpy as jnp
from jax import lax
from jax.experimental import pallas as pl
from jax.experimental.pallas import tpu as pltpu
from jax.experimental.pallas import tpu_sc as plsc

_TB = 1024


def _vq_idx_body(d_ref, z_ref, idx_ref, d2_ref, dn_ref):
    @pl.when(pl.program_id(0) == 0)
    def _prologue():
        d = d_ref[...]
        d2_ref[...] = -2.0 * d
        dn_ref[...] = jnp.sum(d * d, axis=1, keepdims=True)

    zt = z_ref[...].T
    dots2 = lax.dot_general(d2_ref[...], zt, (((1,), (0,)), ((), ())),
                            preferred_element_type=jnp.float32)
    zn = jnp.sum(zt * zt, axis=0)
    dist = (dots2 + dn_ref[...]) + zn[None, :]
    idx_ref[...] = jnp.argmin(dist, axis=0).astype(jnp.int32)


def _sc_gather(dict_hbm, idx_hbm, emb_hbm, emb_pt_hbm, idx_v, rows_v, sem):
    nc = 2
    wid = lax.axis_index("s") * nc + lax.axis_index("c")
    base = wid * 512
    for j in range(4):
        pltpu.sync_copy(idx_hbm.at[pl.ds(base + j * 128, 128)], idx_v.at[j])
    copies = []
    for j in range(4):
        copies.append(pltpu.async_copy(
            dict_hbm.at[idx_v.at[j]],
            rows_v.at[pl.ds(j * 128, 128)], sem))
    for cp in copies:
        cp.wait()
    pltpu.sync_copy(rows_v, emb_hbm.at[pl.ds(base, 512)])
    pltpu.sync_copy(rows_v, emb_pt_hbm.at[pl.ds(base, 512)])


@jax.jit
def kernel(inputs, dictionary):
    n, c, h, w = inputs.shape
    nt = n * h * w
    z = jnp.transpose(inputs, (0, 2, 3, 1)).reshape(nt, c)
    nb = nt // _TB
    idx = pl.pallas_call(
        _vq_idx_body,
        grid=(nb,),
        in_specs=[
            pl.BlockSpec((1024, c), lambda i: (0, 0)),
            pl.BlockSpec((_TB, c), lambda i: (i, 0)),
        ],
        out_specs=pl.BlockSpec((_TB,), lambda i: (i,)),
        out_shape=jax.ShapeDtypeStruct((nt,), jnp.int32),
        scratch_shapes=[
            pltpu.VMEM((1024, c), jnp.float32),
            pltpu.VMEM((1024, 1), jnp.float32),
        ],
    )(dictionary, z)

    mesh = plsc.VectorSubcoreMesh(core_axis_name="c", subcore_axis_name="s")
    gather = pl.kernel(
        _sc_gather, mesh=mesh,
        out_type=[
            jax.ShapeDtypeStruct((nt, c), jnp.float32),
            jax.ShapeDtypeStruct((nt, c), jnp.float32),
        ],
        scratch_types=[
            pltpu.VMEM((4, 128), jnp.int32),
            pltpu.VMEM((512, c), jnp.float32),
            pltpu.SemaphoreType.DMA,
        ],
        compiler_params=pltpu.CompilerParams(use_tc_tiling_on_sc=False),
    )
    emb, emb_pt = gather(dictionary, idx)

    emb = jnp.transpose(emb.reshape(n, h, w, c), (0, 3, 1, 2))
    emb_pt = jnp.transpose(emb_pt.reshape(n, h, w, c), (0, 3, 1, 2))
    return emb, emb_pt, idx.reshape(n, h, w)

# --- scband reference (transcript-rebuilt; emitter-appended) ---
"""Pipeline reference for scband-vq-64037962383654 (READ-ONLY COPY).

The authoritative reference and input builder live on the scoring server;
editing this copy changes nothing except your own understanding.
"""

import jax, jax.numpy as jnp
import numpy as np


def setup_inputs(seed: int = 0) -> dict:
    key = jax.random.key(seed)
    k1, k2 = jax.random.split(key)
    inputs = jax.random.normal(k1, (16, 64, 32, 32), dtype=jnp.float32)
    dictionary = jax.random.normal(k2, (1024, 64), dtype=jnp.float32)
    return {"inputs": inputs, "dictionary": dictionary}


def embedding_distances(dictionary, tensor):
    # dictionary: [D, C]; tensor: [..., C] -> [..., D]
    dict_norms = jnp.sum(dictionary ** 2, axis=-1)
    tensor_norms = jnp.sum(tensor ** 2, axis=-1)
    # matmul([D,C], [...,C,1]) -> [...,D,1] -> [...,D]
    dots = jnp.matmul(dictionary, tensor[..., None])[..., 0]
    return -2.0 * dots + dict_norms + tensor_norms[..., None]


def reference(inputs, dictionary):
    # inputs: [N, C, H, W]
    channels_last = jnp.transpose(inputs, (0, 2, 3, 1))  # [N, H, W, C]
    diffs = embedding_distances(dictionary, channels_last)  # [N, H, W, D]
    idxs = jnp.argmin(diffs, axis=-1)  # [N, H, W]
    embedded = jnp.take(dictionary, idxs, axis=0)  # [N, H, W, C]
    embedded = jnp.transpose(embedded, (0, 3, 1, 2))  # [N, C, H, W]
    embedded_pt = jax.lax.stop_gradient(embedded) + (inputs - jax.lax.stop_gradient(inputs))
    return embedded, embedded_pt, idxs

if __name__ == "__main__":
    import jax
    _d = setup_inputs()
    print(jax.jit(kernel)(*tuple(_d.values())))

</pallas_src>

<mosaic_0001>
#map = affine_map<(d0, d1) -> (0, 0)>
#map1 = affine_map<(d0, d1) -> (0)>
module attributes {stable_mosaic.version = 14 : i64} {
  func.func @_sc_gather(%arg0: i32, %arg1: i32, %arg2: memref<1024x64xf32, #tpu.memory_space<hbm>>, %arg3: memref<16384xi32, #tpu.memory_space<hbm>>, %arg4: memref<16384x64xf32, #tpu.memory_space<hbm>>, %arg5: memref<16384x64xf32, #tpu.memory_space<hbm>>, %arg6: memref<4x128xi32, #tpu.memory_space<vmem>>, %arg7: memref<512x64xf32, #tpu.memory_space<vmem>>, %arg8: memref<!tpu.dma_semaphore, #tpu.memory_space<semaphore_mem>>) attributes {dimension_semantics = [#tpu.dimension_semantics<core_parallel>, #tpu.dimension_semantics<subcore_parallel>], iteration_bounds = array<i64: 2, 16>, scalar_prefetch = 0 : i64, scratch_operands = 3 : i64, tpu.core_type = #tpu.core_type<sc_vector_subcore>, window_params = [{transform_indices = #map}, {transform_indices = #map1}, {transform_indices = #map}, {transform_indices = #map}]} {
    %mul3A = arith.constant 2 : i32
    %mul3A_0 = arith.muli %arg1, %mul3A : i32
    %add3A = arith.addi %mul3A_0, %arg0 : i32
    %mul3A_1 = arith.constant 512 : i32
    %mul3A_2 = arith.muli %add3A, %mul3A_1 : i32
    %add3A_3 = arith.constant 0 : i32
    %add3A_4 = arith.addi %mul3A_2, %add3A_3 : i32
    %run_scoped3A = arith.constant 0 : i32
    "tpu.region"() ({
      %run_scoped3A_92 = tpu.sem_alloc : memref<!tpu.dma_semaphore, #tpu.memory_space<semaphore_mem>>
      %dma_start3A_93 = arith.constant 0 : i32
      %dma_start3A_94 = tpu.memref_slice %arg6[%run_scoped3A, %dma_start3A_93] : memref<4x128xi32, #tpu.memory_space<vmem>> -> memref<1x128xi32, #tpu.memory_space<vmem>>
      %dma_start3A_95 = tpu.memref_squeeze %dma_start3A_94 : memref<1x128xi32, #tpu.memory_space<vmem>> -> memref<128xi32, #tpu.memory_space<vmem>>
      %dma_start3A_96 = tpu.memref_slice %arg3[%add3A_4] : memref<16384xi32, #tpu.memory_space<hbm>> -> memref<128xi32, #tpu.memory_space<hbm>>
      %dma_start3A_97 = arith.constant 0 : i32
      %dma_start3A_98 = tpu.memref_slice %arg6[%run_scoped3A, %dma_start3A_97] : memref<4x128xi32, #tpu.memory_space<vmem>> -> memref<1x128xi32, #tpu.memory_space<vmem>>
      %dma_start3A_99 = tpu.memref_squeeze %dma_start3A_98 : memref<1x128xi32, #tpu.memory_space<vmem>> -> memref<128xi32, #tpu.memory_space<vmem>>
      %dma_start3A_100 = tpu.memref_slice %arg3[%add3A_4] : memref<16384xi32, #tpu.memory_space<hbm>> -> memref<128xi32, #tpu.memory_space<hbm>>
      tpu.enqueue_dma source(%dma_start3A_100 : memref<128xi32, #tpu.memory_space<hbm>>) target(%dma_start3A_99 : memref<128xi32, #tpu.memory_space<vmem>>) target_semaphore(%run_scoped3A_92 : memref<!tpu.dma_semaphore, #tpu.memory_space<semaphore_mem>>)
      %dma_wait3A_101 = arith.constant 0 : i32
      %dma_wait3A_102 = tpu.memref_slice %arg6[%run_scoped3A, %dma_wait3A_101] : memref<4x128xi32, #tpu.memory_space<vmem>> -> memref<1x128xi32, #tpu.memory_space<vmem>>
      %dma_wait3A_103 = tpu.memref_squeeze %dma_wait3A_102 : memref<1x128xi32, #tpu.memory_space<vmem>> -> memref<128xi32, #tpu.memory_space<vmem>>
      %dma_wait3A_104 = tpu.memref_slice %arg3[%add3A_4] : memref<16384xi32, #tpu.memory_space<hbm>> -> memref<128xi32, #tpu.memory_space<hbm>>
      %dma_wait3A_105 = arith.constant 0 : i32
      %dma_wait3A_106 = tpu.memref_slice %arg6[%run_scoped3A, %dma_wait3A_105] : memref<4x128xi32, #tpu.memory_space<vmem>> -> memref<1x128xi32, #tpu.memory_space<vmem>>
      %dma_wait3A_107 = tpu.memref_squeeze %dma_wait3A_106 : memref<1x128xi32, #tpu.memory_space<vmem>> -> memref<128xi32, #tpu.memory_space<vmem>>
      %dma_wait3A_108 = tpu.memref_slice %arg3[%add3A_4] : memref<16384xi32, #tpu.memory_space<hbm>> -> memref<128xi32, #tpu.memory_space<hbm>>
      tpu.wait_dma2 semaphore(%run_scoped3A_92 : memref<!tpu.dma_semaphore, #tpu.memory_space<semaphore_mem>>) src(%dma_wait3A_108 : memref<128xi32, #tpu.memory_space<hbm>>) dst(%dma_wait3A_107 : memref<128xi32, #tpu.memory_space<vmem>>)
      tpu.yield
    }) : () -> ()
    %add3A_5 = arith.constant 128 : i32
    %add3A_6 = arith.addi %mul3A_2, %add3A_5 : i32
    %run_scoped3A_7 = arith.constant 1 : i32
    "tpu.region"() ({
      %run_scoped3A_92 = tpu.sem_alloc : memref<!tpu.dma_semaphore, #tpu.memory_space<semaphore_mem>>
      %dma_start3A_93 = arith.constant 0 : i32
      %dma_start3A_94 = tpu.memref_slice %arg6[%run_scoped3A_7, %dma_start3A_93] : memref<4x128xi32, #tpu.memory_space<vmem>> -> memref<1x128xi32, #tpu.memory_space<vmem>>
      %dma_start3A_95 = tpu.memref_squeeze %dma_start3A_94 : memref<1x128xi32, #tpu.memory_space<vmem>> -> memref<128xi32, #tpu.memory_space<vmem>>
      %dma_start3A_96 = tpu.memref_slice %arg3[%add3A_6] : memref<16384xi32, #tpu.memory_space<hbm>> -> memref<128xi32, #tpu.memory_space<hbm>>
      %dma_start3A_97 = arith.constant 0 : i32
      %dma_start3A_98 = tpu.memref_slice %arg6[%run_scoped3A_7, %dma_start3A_97] : memref<4x128xi32, #tpu.memory_space<vmem>> -> memref<1x128xi32, #tpu.memory_space<vmem>>
      %dma_start3A_99 = tpu.memref_squeeze %dma_start3A_98 : memref<1x128xi32, #tpu.memory_space<vmem>> -> memref<128xi32, #tpu.memory_space<vmem>>
      %dma_start3A_100 = tpu.memref_slice %arg3[%add3A_6] : memref<16384xi32, #tpu.memory_space<hbm>> -> memref<128xi32, #tpu.memory_space<hbm>>
      tpu.enqueue_dma source(%dma_start3A_100 : memref<128xi32, #tpu.memory_space<hbm>>) target(%dma_start3A_99 : memref<128xi32, #tpu.memory_space<vmem>>) target_semaphore(%run_scoped3A_92 : memref<!tpu.dma_semaphore, #tpu.memory_space<semaphore_mem>>)
      %dma_wait3A_101 = arith.constant 0 : i32
      %dma_wait3A_102 = tpu.memref_slice %arg6[%run_scoped3A_7, %dma_wait3A_101] : memref<4x128xi32, #tpu.memory_space<vmem>> -> memref<1x128xi32, #tpu.memory_space<vmem>>
      %dma_wait3A_103 = tpu.memref_squeeze %dma_wait3A_102 : memref<1x128xi32, #tpu.memory_space<vmem>> -> memref<128xi32, #tpu.memory_space<vmem>>
      %dma_wait3A_104 = tpu.memref_slice %arg3[%add3A_6] : memref<16384xi32, #tpu.memory_space<hbm>> -> memref<128xi32, #tpu.memory_space<hbm>>
      %dma_wait3A_105 = arith.constant 0 : i32
      %dma_wait3A_106 = tpu.memref_slice %arg6[%run_scoped3A_7, %dma_wait3A_105] : memref<4x128xi32, #tpu.memory_space<vmem>> -> memref<1x128xi32, #tpu.memory_space<vmem>>
      %dma_wait3A_107 = tpu.memref_squeeze %dma_wait3A_106 : memref<1x128xi32, #tpu.memory_space<vmem>> -> memref<128xi32, #tpu.memory_space<vmem>>
      %dma_wait3A_108 = tpu.memref_slice %arg3[%add3A_6] : memref<16384xi32, #tpu.memory_space<hbm>> -> memref<128xi32, #tpu.memory_space<hbm>>
      tpu.wait_dma2 semaphore(%run_scoped3A_92 : memref<!tpu.dma_semaphore, #tpu.memory_space<semaphore_mem>>) src(%dma_wait3A_108 : memref<128xi32, #tpu.memory_space<hbm>>) dst(%dma_wait3A_107 : memref<128xi32, #tpu.memory_space<vmem>>)
      tpu.yield
    }) : () -> ()
    %add3A_8 = arith.constant 256 : i32
    %add3A_9 = arith.addi %mul3A_2, %add3A_8 : i32
    %run_scoped3A_10 = arith.constant 2 : i32
    "tpu.region"() ({
      %run_scoped3A_92 = tpu.sem_alloc : memref<!tpu.dma_semaphore, #tpu.memory_space<semaphore_mem>>
      %dma_start3A_93 = arith.constant 0 : i32
      %dma_start3A_94 = tpu.memref_slice %arg6[%run_scoped3A_10, %dma_start3A_93] : memref<4x128xi32, #tpu.memory_space<vmem>> -> memref<1x128xi32, #tpu.memory_space<vmem>>
      %dma_start3A_95 = tpu.memref_squeeze %dma_start3A_94 : memref<1x128xi32, #tpu.memory_space<vmem>> -> memref<128xi32, #tpu.memory_space<vmem>>
      %dma_start3A_96 = tpu.memref_slice %arg3[%add3A_9] : memref<16384xi32, #tpu.memory_space<hbm>> -> memref<128xi32, #tpu.memory_space<hbm>>
      %dma_start3A_97 = arith.constant 0 : i32
      %dma_start3A_98 = tpu.memref_slice %arg6[%run_scoped3A_10, %dma_start3A_97] : memref<4x128xi32, #tpu.memory_space<vmem>> -> memref<1x128xi32, #tpu.memory_space<vmem>>
      %dma_start3A_99 = tpu.memref_squeeze %dma_start3A_98 : memref<1x128xi32, #tpu.memory_space<vmem>> -> memref<128xi32, #tpu.memory_space<vmem>>
      %dma_start3A_100 = tpu.memref_slice %arg3[%add3A_9] : memref<16384xi32, #tpu.memory_space<hbm>> -> memref<128xi32, #tpu.memory_space<hbm>>
      tpu.enqueue_dma source(%dma_start3A_100 : memref<128xi32, #tpu.memory_space<hbm>>) target(%dma_start3A_99 : memref<128xi32, #tpu.memory_space<vmem>>) target_semaphore(%run_scoped3A_92 : memref<!tpu.dma_semaphore, #tpu.memory_space<semaphore_mem>>)
      %dma_wait3A_101 = arith.constant 0 : i32
      %dma_wait3A_102 = tpu.memref_slice %arg6[%run_scoped3A_10, %dma_wait3A_101] : memref<4x128xi32, #tpu.memory_space<vmem>> -> memref<1x128xi32, #tpu.memory_space<vmem>>
      %dma_wait3A_103 = tpu.memref_squeeze %dma_wait3A_102 : memref<1x128xi32, #tpu.memory_space<vmem>> -> memref<128xi32, #tpu.memory_space<vmem>>
      %dma_wait3A_104 = tpu.memref_slice %arg3[%add3A_9] : memref<16384xi32, #tpu.memory_space<hbm>> -> memref<128xi32, #tpu.memory_space<hbm>>
      %dma_wait3A_105 = arith.constant 0 : i32
      %dma_wait3A_106 = tpu.memref_slice %arg6[%run_scoped3A_10, %dma_wait3A_105] : memref<4x128xi32, #tpu.memory_space<vmem>> -> memref<1x128xi32, #tpu.memory_space<vmem>>
      %dma_wait3A_107 = tpu.memref_squeeze %dma_wait3A_106 : memref<1x128xi32, #tpu.memory_space<vmem>> -> memref<128xi32, #tpu.memory_space<vmem>>
      %dma_wait3A_108 = tpu.memref_slice %arg3[%add3A_9] : memref<16384xi32, #tpu.memory_space<hbm>> -> memref<128xi32, #tpu.memory_space<hbm>>
      tpu.wait_dma2 semaphore(%run_scoped3A_92 : memref<!tpu.dma_semaphore, #tpu.memory_space<semaphore_mem>>) src(%dma_wait3A_108 : memref<128xi32, #tpu.memory_space<hbm>>) dst(%dma_wait3A_107 : memref<128xi32, #tpu.memory_space<vmem>>)
      tpu.yield
    }) : () -> ()
    %add3A_11 = arith.constant 384 : i32
    %add3A_12 = arith.addi %mul3A_2, %add3A_11 : i32
    %run_scoped3A_13 = arith.constant 3 : i32
    "tpu.region"() ({
      %run_scoped3A_92 = tpu.sem_alloc : memref<!tpu.dma_semaphore, #tpu.memory_space<semaphore_mem>>
      %dma_start3A_93 = arith.constant 0 : i32
      %dma_start3A_94 = tpu.memref_slice %arg6[%run_scoped3A_13, %dma_start3A_93] : memref<4x128xi32, #tpu.memory_space<vmem>> -> memref<1x128xi32, #tpu.memory_space<vmem>>
      %dma_start3A_95 = tpu.memref_squeeze %dma_start3A_94 : memref<1x128xi32, #tpu.memory_space<vmem>> -> memref<128xi32, #tpu.memory_space<vmem>>
      %dma_start3A_96 = tpu.memref_slice %arg3[%add3A_12] : memref<16384xi32, #tpu.memory_space<hbm>> -> memref<128xi32, #tpu.memory_space<hbm>>
      %dma_start3A_97 = arith.constant 0 : i32
      %dma_start3A_98 = tpu.memref_slice %arg6[%run_scoped3A_13, %dma_start3A_97] : memref<4x128xi32, #tpu.memory_space<vmem>> -> memref<1x128xi32, #tpu.memory_space<vmem>>
      %dma_start3A_99 = tpu.memref_squeeze %dma_start3A_98 : memref<1x128xi32, #tpu.memory_space<vmem>> -> memref<128xi32, #tpu.memory_space<vmem>>
      %dma_start3A_100 = tpu.memref_slice %arg3[%add3A_12] : memref<16384xi32, #tpu.memory_space<hbm>> -> memref<128xi32, #tpu.memory_space<hbm>>
      tpu.enqueue_dma source(%dma_start3A_100 : memref<128xi32, #tpu.memory_space<hbm>>) target(%dma_start3A_99 : memref<128xi32, #tpu.memory_space<vmem>>) target_semaphore(%run_scoped3A_92 : memref<!tpu.dma_semaphore, #tpu.memory_space<semaphore_mem>>)
      %dma_wait3A_101 = arith.constant 0 : i32
      %dma_wait3A_102 = tpu.memref_slice %arg6[%run_scoped3A_13, %dma_wait3A_101] : memref<4x128xi32, #tpu.memory_space<vmem>> -> memref<1x128xi32, #tpu.memory_space<vmem>>
      %dma_wait3A_103 = tpu.memref_squeeze %dma_wait3A_102 : memref<1x128xi32, #tpu.memory_space<vmem>> -> memref<128xi32, #tpu.memory_space<vmem>>
      %dma_wait3A_104 = tpu.memref_slice %arg3[%add3A_12] : memref<16384xi32, #tpu.memory_space<hbm>> -> memref<128xi32, #tpu.memory_space<hbm>>
      %dma_wait3A_105 = arith.constant 0 : i32
      %dma_wait3A_106 = tpu.memref_slice %arg6[%run_scoped3A_13, %dma_wait3A_105] : memref<4x128xi32, #tpu.memory_space<vmem>> -> memref<1x128xi32, #tpu.memory_space<vmem>>
      %dma_wait3A_107 = tpu.memref_squeeze %dma_wait3A_106 : memref<1x128xi32, #tpu.memory_space<vmem>> -> memref<128xi32, #tpu.memory_space<vmem>>
      %dma_wait3A_108 = tpu.memref_slice %arg3[%add3A_12] : memref<16384xi32, #tpu.memory_space<hbm>> -> memref<128xi32, #tpu.memory_space<hbm>>
      tpu.wait_dma2 semaphore(%run_scoped3A_92 : memref<!tpu.dma_semaphore, #tpu.memory_space<semaphore_mem>>) src(%dma_wait3A_108 : memref<128xi32, #tpu.memory_space<hbm>>) dst(%dma_wait3A_107 : memref<128xi32, #tpu.memory_space<vmem>>)
      tpu.yield
    }) : () -> ()
    %dma_start3A = arith.constant 0 : i32
    %dma_start3A_14 = arith.constant 0 : i32
    %dma_start3A_15 = arith.constant 0 : i32
    %dma_start3A_16 = tpu.memref_slice %arg7[%dma_start3A_14, %dma_start3A_15] : memref<512x64xf32, #tpu.memory_space<vmem>> -> memref<128x64xf32, #tpu.memory_space<vmem>>
    %dma_start3A_17 = arith.constant 0 : i32
    %dma_start3A_18 = tpu.memref_slice %arg6[%dma_start3A, %dma_start3A_17] : memref<4x128xi32, #tpu.memory_space<vmem>> -> memref<1x128xi32, #tpu.memory_space<vmem>>
    %dma_start3A_19 = tpu.memref_squeeze %dma_start3A_18 : memref<1x128xi32, #tpu.memory_space<vmem>> -> memref<128xi32, #tpu.memory_space<vmem>>
    %dma_start3A_20 = arith.constant 0 : i32
    %dma_start3A_21 = arith.constant 0 : i32
    %dma_start3A_22 = tpu.memref_slice %arg2[%dma_start3A_20, %dma_start3A_21] : memref<1024x64xf32, #tpu.memory_space<hbm>> -> memref<1024x64xf32, #tpu.memory_space<hbm>>
    tpu.enqueue_indirect_dma source(%dma_start3A_22 : memref<1024x64xf32, #tpu.memory_space<hbm>>) target(%dma_start3A_16 : memref<128x64xf32, #tpu.memory_space<vmem>>) offsets(%dma_start3A_19 : memref<128xi32, #tpu.memory_space<vmem>>) semaphore(%arg8 : memref<!tpu.dma_semaphore, #tpu.memory_space<semaphore_mem>>)
    %dma_start3A_23 = arith.constant 1 : i32
    %dma_start3A_24 = arith.constant 128 : i32
    %dma_start3A_25 = arith.constant 0 : i32
    %dma_start3A_26 = tpu.memref_slice %arg7[%dma_start3A_24, %dma_start3A_25] : memref<512x64xf32, #tpu.memory_space<vmem>> -> memref<128x64xf32, #tpu.memory_space<vmem>>
    %dma_start3A_27 = arith.constant 0 : i32
    %dma_start3A_28 = tpu.memref_slice %arg6[%dma_start3A_23, %dma_start3A_27] : memref<4x128xi32, #tpu.memory_space<vmem>> -> memref<1x128xi32, #tpu.memory_space<vmem>>
    %dma_start3A_29 = tpu.memref_squeeze %dma_start3A_28 : memref<1x128xi32, #tpu.memory_space<vmem>> -> memref<128xi32, #tpu.memory_space<vmem>>
    %dma_start3A_30 = arith.constant 0 : i32
    %dma_start3A_31 = arith.constant 0 : i32
    %dma_start3A_32 = tpu.memref_slice %arg2[%dma_start3A_30, %dma_start3A_31] : memref<1024x64xf32, #tpu.memory_space<hbm>> -> memref<1024x64xf32, #tpu.memory_space<hbm>>
    tpu.enqueue_indirect_dma source(%dma_start3A_32 : memref<1024x64xf32, #tpu.memory_space<hbm>>) target(%dma_start3A_26 : memref<128x64xf32, #tpu.memory_space<vmem>>) offsets(%dma_start3A_29 : memref<128xi32, #tpu.memory_space<vmem>>) semaphore(%arg8 : memref<!tpu.dma_semaphore, #tpu.memory_space<semaphore_mem>>)
    %dma_start3A_33 = arith.constant 2 : i32
    %dma_start3A_34 = arith.constant 256 : i32
    %dma_start3A_35 = arith.constant 0 : i32
    %dma_start3A_36 = tpu.memref_slice %arg7[%dma_start3A_34, %dma_start3A_35] : memref<512x64xf32, #tpu.memory_space<vmem>> -> memref<128x64xf32, #tpu.memory_space<vmem>>
    %dma_start3A_37 = arith.constant 0 : i32
    %dma_start3A_38 = tpu.memref_slice %arg6[%dma_start3A_33, %dma_start3A_37] : memref<4x128xi32, #tpu.memory_space<vmem>> -> memref<1x128xi32, #tpu.memory_space<vmem>>
    %dma_start3A_39 = tpu.memref_squeeze %dma_start3A_38 : memref<1x128xi32, #tpu.memory_space<vmem>> -> memref<128xi32, #tpu.memory_space<vmem>>
    %dma_start3A_40 = arith.constant 0 : i32
    %dma_start3A_41 = arith.constant 0 : i32
    %dma_start3A_42 = tpu.memref_slice %arg2[%dma_start3A_40, %dma_start3A_41] : memref<1024x64xf32, #tpu.memory_space<hbm>> -> memref<1024x64xf32, #tpu.memory_space<hbm>>
    tpu.enqueue_indirect_dma source(%dma_start3A_42 : memref<1024x64xf32, #tpu.memory_space<hbm>>) target(%dma_start3A_36 : memref<128x64xf32, #tpu.memory_space<vmem>>) offsets(%dma_start3A_39 : memref<128xi32, #tpu.memory_space<vmem>>) semaphore(%arg8 : memref<!tpu.dma_semaphore, #tpu.memory_space<semaphore_mem>>)
    %dma_start3A_43 = arith.constant 3 : i32
    %dma_start3A_44 = arith.constant 384 : i32
    %dma_start3A_45 = arith.constant 0 : i32
    %dma_start3A_46 = tpu.memref_slice %arg7[%dma_start3A_44, %dma_start3A_45] : memref<512x64xf32, #tpu.memory_space<vmem>> -> memref<128x64xf32, #tpu.memory_space<vmem>>
    %dma_start3A_47 = arith.constant 0 : i32
    %dma_start3A_48 = tpu.memref_slice %arg6[%dma_start3A_43, %dma_start3A_47] : memref<4x128xi32, #tpu.memory_space<vmem>> -> memref<1x128xi32, #tpu.memory_space<vmem>>
    %dma_start3A_49 = tpu.memref_squeeze %dma_start3A_48 : memref<1x128xi32, #tpu.memory_space<vmem>> -> memref<128xi32, #tpu.memory_space<vmem>>
    %dma_start3A_50 = arith.constant 0 : i32
    %dma_start3A_51 = arith.constant 0 : i32
    %dma_start3A_52 = tpu.memref_slice %arg2[%dma_start3A_50, %dma_start3A_51] : memref<1024x64xf32, #tpu.memory_space<hbm>> -> memref<1024x64xf32, #tpu.memory_space<hbm>>
    tpu.enqueue_indirect_dma source(%dma_start3A_52 : memref<1024x64xf32, #tpu.memory_space<hbm>>) target(%dma_start3A_46 : memref<128x64xf32, #tpu.memory_space<vmem>>) offsets(%dma_start3A_49 : memref<128xi32, #tpu.memory_space<vmem>>) semaphore(%arg8 : memref<!tpu.dma_semaphore, #tpu.memory_space<semaphore_mem>>)
    %dma_wait3A = arith.constant 0 : i32
    %dma_wait3A_53 = arith.constant 0 : i32
    %dma_wait3A_54 = arith.constant 0 : i32
    %dma_wait3A_55 = tpu.memref_slice %arg7[%dma_wait3A_53, %dma_wait3A_54] : memref<512x64xf32, #tpu.memory_space<vmem>> -> memref<128x64xf32, #tpu.memory_space<vmem>>
    %dma_wait3A_56 = arith.constant 0 : i32
    %dma_wait3A_57 = tpu.memref_slice %arg6[%dma_wait3A, %dma_wait3A_56] : memref<4x128xi32, #tpu.memory_space<vmem>> -> memref<1x128xi32, #tpu.memory_space<vmem>>
    %dma_wait3A_58 = tpu.memref_squeeze %dma_wait3A_57 : memref<1x128xi32, #tpu.memory_space<vmem>> -> memref<128xi32, #tpu.memory_space<vmem>>
    %dma_wait3A_59 = arith.constant 0 : i32
    %dma_wait3A_60 = arith.constant 0 : i32
    %dma_wait3A_61 = tpu.memref_slice %arg2[%dma_wait3A_59, %dma_wait3A_60] : memref<1024x64xf32, #tpu.memory_space<hbm>> -> memref<1024x64xf32, #tpu.memory_space<hbm>>
    tpu.wait_indirect_dma semaphore(%arg8 : memref<!tpu.dma_semaphore, #tpu.memory_space<semaphore_mem>>) src(%dma_wait3A_61 : memref<1024x64xf32, #tpu.memory_space<hbm>>) dst(%dma_wait3A_55 : memref<128x64xf32, #tpu.memory_space<vmem>>)
    %dma_wait3A_62 = arith.constant 1 : i32
    %dma_wait3A_63 = arith.constant 128 : i32
    %dma_wait3A_64 = arith.constant 0 : i32
    %dma_wait3A_65 = tpu.memref_slice %arg7[%dma_wait3A_63, %dma_wait3A_64] : memref<512x64xf32, #tpu.memory_space<vmem>> -> memref<128x64xf32, #tpu.memory_space<vmem>>
    %dma_wait3A_66 = arith.constant 0 : i32
    %dma_wait3A_67 = tpu.memref_slice %arg6[%dma_wait3A_62, %dma_wait3A_66] : memref<4x128xi32, #tpu.memory_space<vmem>> -> memref<1x128xi32, #tpu.memory_space<vmem>>
    %dma_wait3A_68 = tpu.memref_squeeze %dma_wait3A_67 : memref<1x128xi32, #tpu.memory_space<vmem>> -> memref<128xi32, #tpu.memory_space<vmem>>
    %dma_wait3A_69 = arith.constant 0 : i32
    %dma_wait3A_70 = arith.constant 0 : i32
    %dma_wait3A_71 = tpu.memref_slice %arg2[%dma_wait3A_69, %dma_wait3A_70] : memref<1024x64xf32, #tpu.memory_space<hbm>> -> memref<1024x64xf32, #tpu.memory_space<hbm>>
    tpu.wait_indirect_dma semaphore(%arg8 : memref<!tpu.dma_semaphore, #tpu.memory_space<semaphore_mem>>) src(%dma_wait3A_71 : memref<1024x64xf32, #tpu.memory_space<hbm>>) dst(%dma_wait3A_65 : memref<128x64xf32, #tpu.memory_space<vmem>>)
    %dma_wait3A_72 = arith.constant 2 : i32
    %dma_wait3A_73 = arith.constant 256 : i32
    %dma_wait3A_74 = arith.constant 0 : i32
    %dma_wait3A_75 = tpu.memref_slice %arg7[%dma_wait3A_73, %dma_wait3A_74] : memref<512x64xf32, #tpu.memory_space<vmem>> -> memref<128x64xf32, #tpu.memory_space<vmem>>
    %dma_wait3A_76 = arith.constant 0 : i32
    %dma_wait3A_77 = tpu.memref_slice %arg6[%dma_wait3A_72, %dma_wait3A_76] : memref<4x128xi32, #tpu.memory_space<vmem>> -> memref<1x128xi32, #tpu.memory_space<vmem>>
    %dma_wait3A_78 = tpu.memref_squeeze %dma_wait3A_77 : memref<1x128xi32, #tpu.memory_space<vmem>> -> memref<128xi32, #tpu.memory_space<vmem>>
    %dma_wait3A_79 = arith.constant 0 : i32
    %dma_wait3A_80 = arith.constant 0 : i32
    %dma_wait3A_81 = tpu.memref_slice %arg2[%dma_wait3A_79, %dma_wait3A_80] : memref<1024x64xf32, #tpu.memory_space<hbm>> -> memref<1024x64xf32, #tpu.memory_space<hbm>>
    tpu.wait_indirect_dma semaphore(%arg8 : memref<!tpu.dma_semaphore, #tpu.memory_space<semaphore_mem>>) src(%dma_wait3A_81 : memref<1024x64xf32, #tpu.memory_space<hbm>>) dst(%dma_wait3A_75 : memref<128x64xf32, #tpu.memory_space<vmem>>)
    %dma_wait3A_82 = arith.constant 3 : i32
    %dma_wait3A_83 = arith.constant 384 : i32
    %dma_wait3A_84 = arith.constant 0 : i32
    %dma_wait3A_85 = tpu.memref_slice %arg7[%dma_wait3A_83, %dma_wait3A_84] : memref<512x64xf32, #tpu.memory_space<vmem>> -> memref<128x64xf32, #tpu.memory_space<vmem>>
    %dma_wait3A_86 = arith.constant 0 : i32
    %dma_wait3A_87 = tpu.memref_slice %arg6[%dma_wait3A_82, %dma_wait3A_86] : memref<4x128xi32, #tpu.memory_space<vmem>> -> memref<1x128xi32, #tpu.memory_space<vmem>>
    %dma_wait3A_88 = tpu.memref_squeeze %dma_wait3A_87 : memref<1x128xi32, #tpu.memory_space<vmem>> -> memref<128xi32, #tpu.memory_space<vmem>>
    %dma_wait3A_89 = arith.constant 0 : i32
    %dma_wait3A_90 = arith.constant 0 : i32
    %dma_wait3A_91 = tpu.memref_slice %arg2[%dma_wait3A_89, %dma_wait3A_90] : memref<1024x64xf32, #tpu.memory_space<hbm>> -> memref<1024x64xf32, #tpu.memory_space<hbm>>
    tpu.wait_indirect_dma semaphore(%arg8 : memref<!tpu.dma_semaphore, #tpu.memory_space<semaphore_mem>>) src(%dma_wait3A_91 : memref<1024x64xf32, #tpu.memory_space<hbm>>) dst(%dma_wait3A_85 : memref<128x64xf32, #tpu.memory_space<vmem>>)
    "tpu.region"() ({
      %run_scoped3A_92 = tpu.sem_alloc : memref<!tpu.dma_semaphore, #tpu.memory_space<semaphore_mem>>
      %dma_start3A_93 = arith.constant 0 : i32
      %dma_start3A_94 = tpu.memref_slice %arg4[%mul3A_2, %dma_start3A_93] : memref<16384x64xf32, #tpu.memory_space<hbm>> -> memref<512x64xf32, #tpu.memory_space<hbm>>
      %dma_start3A_95 = arith.constant 0 : i32
      %dma_start3A_96 = tpu.memref_slice %arg4[%mul3A_2, %dma_start3A_95] : memref<16384x64xf32, #tpu.memory_space<hbm>> -> memref<512x64xf32, #tpu.memory_space<hbm>>
      tpu.enqueue_dma source(%arg7 : memref<512x64xf32, #tpu.memory_space<vmem>>) target(%dma_start3A_96 : memref<512x64xf32, #tpu.memory_space<hbm>>) target_semaphore(%run_scoped3A_92 : memref<!tpu.dma_semaphore, #tpu.memory_space<semaphore_mem>>)
      %dma_wait3A_97 = arith.constant 0 : i32
      %dma_wait3A_98 = tpu.memref_slice %arg4[%mul3A_2, %dma_wait3A_97] : memref<16384x64xf32, #tpu.memory_space<hbm>> -> memref<512x64xf32, #tpu.memory_space<hbm>>
      %dma_wait3A_99 = arith.constant 0 : i32
      %dma_wait3A_100 = tpu.memref_slice %arg4[%mul3A_2, %dma_wait3A_99] : memref<16384x64xf32, #tpu.memory_space<hbm>> -> memref<512x64xf32, #tpu.memory_space<hbm>>
      tpu.wait_dma2 semaphore(%run_scoped3A_92 : memref<!tpu.dma_semaphore, #tpu.memory_space<semaphore_mem>>) src(%arg7 : memref<512x64xf32, #tpu.memory_space<vmem>>) dst(%dma_wait3A_100 : memref<512x64xf32, #tpu.memory_space<hbm>>)
      tpu.yield
    }) : () -> ()
    "tpu.region"() ({
      %run_scoped3A_92 = tpu.sem_alloc : memref<!tpu.dma_semaphore, #tpu.memory_space<semaphore_mem>>
      %dma_start3A_93 = arith.constant 0 : i32
      %dma_start3A_94 = tpu.memref_slice %arg5[%mul3A_2, %dma_start3A_93] : memref<16384x64xf32, #tpu.memory_space<hbm>> -> memref<512x64xf32, #tpu.memory_space<hbm>>
      %dma_start3A_95 = arith.constant 0 : i32
      %dma_start3A_96 = tpu.memref_slice %arg5[%mul3A_2, %dma_start3A_95] : memref<16384x64xf32, #tpu.memory_space<hbm>> -> memref<512x64xf32, #tpu.memory_space<hbm>>
      tpu.enqueue_dma source(%arg7 : memref<512x64xf32, #tpu.memory_space<vmem>>) target(%dma_start3A_96 : memref<512x64xf32, #tpu.memory_space<hbm>>) target_semaphore(%run_scoped3A_92 : memref<!tpu.dma_semaphore, #tpu.memory_space<semaphore_mem>>)
      %dma_wait3A_97 = arith.constant 0 : i32
      %dma_wait3A_98 = tpu.memref_slice %arg5[%mul3A_2, %dma_wait3A_97] : memref<16384x64xf32, #tpu.memory_space<hbm>> -> memref<512x64xf32, #tpu.memory_space<hbm>>
      %dma_wait3A_99 = arith.constant 0 : i32
      %dma_wait3A_100 = tpu.memref_slice %arg5[%mul3A_2, %dma_wait3A_99] : memref<16384x64xf32, #tpu.memory_space<hbm>> -> memref<512x64xf32, #tpu.memory_space<hbm>>
      tpu.wait_dma2 semaphore(%run_scoped3A_92 : memref<!tpu.dma_semaphore, #tpu.memory_space<semaphore_mem>>) src(%arg7 : memref<512x64xf32, #tpu.memory_space<vmem>>) dst(%dma_wait3A_100 : memref<512x64xf32, #tpu.memory_space<hbm>>)
      tpu.yield
    }) : () -> ()
    return
  }
}

module attributes {stable_mosaic.version = 14 : i64} {
  func.func @_vq_idx_body(%arg0: i32, %arg1: memref<1024x64xf32, #tpu.memory_space<vmem>>, %arg2: memref<1024x64xf32, #tpu.memory_space<vmem>>, %arg3: memref<1024xi32, #tpu.memory_space<vmem>>, %arg4: memref<1024x64xf32, #tpu.memory_space<vmem>>, %arg5: memref<1024x1xf32, #tpu.memory_space<vmem>>) attributes {dimension_semantics = [#tpu.dimension_semantics<arbitrary>], iteration_bounds = array<i64: 16>, scalar_prefetch = 0 : i64, scratch_operands = 2 : i64, tpu.core_type = #tpu.core_type<tc>, window_params = [{pipeline_mode = #tpu.pipeline_mode<synchronous>, transform_indices = @transform_0, window_bounds = array<i64: 1024, 64>}, {transform_indices = @transform_1, window_bounds = array<i64: 1024, 64>}, {transform_indices = @transform_2, window_bounds = array<i64: 1024>}]} {
    %eq3A = arith.constant 0 : i32
    %eq3A_0 = arith.cmpi eq, %arg0, %eq3A : i32
    %convert_element_type3A = arith.extui %eq3A_0 : i1 to i32
    %cond3A = arith.constant 0 : i32
    %cond3A_1 = arith.cmpi ne, %convert_element_type3A, %cond3A : i32
    scf.if %cond3A_1 {
      %get3A_16 = arith.constant 0 : index
      %get3A_17 = arith.constant 0 : index
      %get3A_18 = vector.load %arg1[%get3A_16, %get3A_17] : memref<1024x64xf32, #tpu.memory_space<vmem>>, vector<1024x64xf32>
      %mul3A_19 = arith.constant -2.000000e+00 : f32
      %mul3A_20 = vector.broadcast %mul3A_19 : f32 to vector<1024x64xf32>
      %mul3A_21 = arith.mulf %mul3A_20, %get3A_18 : vector<1024x64xf32>
      %swap3A_22 = arith.constant 0 : index
      %swap3A_23 = arith.constant 0 : index
      %swap3A_24 = vector.load %arg4[%swap3A_22, %swap3A_23] : memref<1024x64xf32, #tpu.memory_space<vmem>>, vector<1024x64xf32>
      tpu.vector_store %arg4[%swap3A_22, %swap3A_23], %mul3A_21 {strides = array<i32>} : memref<1024x64xf32, #tpu.memory_space<vmem>>, vector<1024x64xf32>,
      %mul3A_25 = arith.mulf %get3A_18, %get3A_18 : vector<1024x64xf32>
      %reduce_sum3A_26 = arith.constant dense<0.000000e+00> : vector<1024xf32>
      %reduce_sum3A_27 = vector.multi_reduction <add>, %mul3A_25, %reduce_sum3A_26 [1] : vector<1024x64xf32> to vector<1024xf32>
      %broadcast_in_dim3A_28 = vector.shape_cast %reduce_sum3A_27 : vector<1024xf32> to vector<1024x1xf32>
      %swap3A_29 = arith.constant 0 : index
      %swap3A_30 = arith.constant 0 : index
      %swap3A_31 = vector.load %arg5[%swap3A_29, %swap3A_30] : memref<1024x1xf32, #tpu.memory_space<vmem>>, vector<1024x1xf32>
      tpu.vector_store %arg5[%swap3A_29, %swap3A_30], %broadcast_in_dim3A_28 {strides = array<i32>} : memref<1024x1xf32, #tpu.memory_space<vmem>>, vector<1024x1xf32>,
    } else {
    }
    %get3A = arith.constant 0 : index
    %get3A_2 = arith.constant 0 : index
    %get3A_3 = vector.load %arg2[%get3A, %get3A_2] : memref<1024x64xf32, #tpu.memory_space<vmem>>, vector<1024x64xf32>
    %transpose3A = tpu.transpose %get3A_3, [1, 0] : vector<1024x64xf32> -> vector<64x1024xf32>
    %get3A_4 = arith.constant 0 : index
    %get3A_5 = arith.constant 0 : index
    %get3A_6 = vector.load %arg4[%get3A_4, %get3A_5] : memref<1024x64xf32, #tpu.memory_space<vmem>>, vector<1024x64xf32>
    %dot_general3A = arith.constant dense<0.000000e+00> : vector<1024x1024xf32>
    %dot_general3A_7 = tpu.matmul %get3A_6, %transpose3A, %dot_general3A {dimension_numbers = #tpu.dot_dimension_numbers<[1], [0], [0], [1], [0, 0, 1, 1], [], []>, transpose_lhs_hint = false} : vector<1024x64xf32>, vector<64x1024xf32>, vector<1024x1024xf32> -> vector<1024x1024xf32>
    %mul3A = arith.mulf %transpose3A, %transpose3A : vector<64x1024xf32>
    %reduce_sum3A = arith.constant dense<0.000000e+00> : vector<1024xf32>
    %reduce_sum3A_8 = vector.multi_reduction <add>, %mul3A, %reduce_sum3A [0] : vector<64x1024xf32> to vector<1024xf32>
    %get3A_9 = arith.constant 0 : index
    %get3A_10 = arith.constant 0 : index
    %get3A_11 = vector.load %arg5[%get3A_9, %get3A_10] : memref<1024x1xf32, #tpu.memory_space<vmem>>, vector<1024x1xf32>
    %add3A = vector.broadcast %get3A_11 : vector<1024x1xf32> to vector<1024x1024xf32>
    %add3A_12 = arith.addf %dot_general3A_7, %add3A : vector<1024x1024xf32>
    %broadcast_in_dim3A = vector.shape_cast %reduce_sum3A_8 : vector<1024xf32> to vector<1x1024xf32>
    %add3A_13 = vector.broadcast %broadcast_in_dim3A : vector<1x1024xf32> to vector<1024x1024xf32>
    %add3A_14 = arith.addf %add3A_12, %add3A_13 : vector<1024x1024xf32>
    %argmin3A = tpu.reduce_index %add3A_14 {axis = 0 : i32, kind = #tpu.reduction_kind<arg_min>} : vector<1024x1024xf32> -> vector<1024xi32>
    %swap3A = arith.constant 0 : index
    %swap3A_15 = vector.load %arg3[%swap3A] : memref<1024xi32, #tpu.memory_space<vmem>>, vector<1024xi32>
    tpu.vector_store %arg3[%swap3A], %argmin3A {strides = array<i32>} : memref<1024xi32, #tpu.memory_space<vmem>>, vector<1024xi32>,
    return
  }
  func.func @transform_0(%arg0: i32) -> (i32, i32) {
    %c0_i32 = arith.constant 0 : i32
    %c0_i32_0 = arith.constant 0 : i32
    %c0_i32_1 = arith.constant 0 : i32
    return %c0_i32, %c0_i32_0 : i32, i32
  }
  func.func @transform_1(%arg0: i32) -> (i32, i32) {
    %c0_i32 = arith.constant 0 : i32
    %c0_i32_0 = arith.constant 0 : i32
    return %arg0, %c0_i32 : i32, i32
  }
  func.func @transform_2(%arg0: i32) -> i32 {
    %c0_i32 = arith.constant 0 : i32
    return %arg0 : i32
  }
}

</mosaic_0001>

<sc_bundles>
// kernel: kernel.4.cloned.1.call-start
scs
__scs_entry_jumppad:
0x0: {  	(pc) =	sbr.rel $0x88, $3  }
0x1: {  	(tag) =	ssettag $0x0;
	lr =	simm.s32 $0x1  }
0x2: {  	[smem:$0x3F9F] =	sst lr;
	_ =	strace $0xD0000000  }
0x3: {  	_ = 	snop  }
0x4: {  	_ = 	snop  }
0x5: {  	_ = 	snop  }
0x6: {  	_ = 	snop  }
0x7: {  	_ = 	snop  }
__scs_overlays_trampoline_lowered:
0x8: {  	[smem:$0x3FAE] =	sst s0  }
0x9: {  	[smem:$0x3FAF] =	sst s1  }
0xa: {  	[smem:$0x3FB0] =	sst s2  }
0xb: {  	[smem:$0x3FB1] =	sst s3  }
0xc: {  	[smem:$0x3FB2] =	sst s4  }
0xd: {  	[smem:$0x3FB3] =	sst s5  }
0xe: {  	[smem:$0x3FB4] =	sst s6  }
0xf: {  	[smem:$0x3FB5] =	sst s7  }
0x10: {  	[smem:$0x3FB6] =	sst s8  }
0x11: {  	[smem:$0x3FB7] =	sst s9;
	s0 =	simm.s32 @!p0 $0x0  }
0x12: {  	s1 =	sld [smem:$0x3F9D];
	s0 =	simm.s32 @p0 $0x1  }
0x13: {  	[smem:$0x3FB8] =	sst s0;
	s0 =	simm.s32 @!p1 $0x0  }
0x14: {  	s2 =	sld [smem:$0x3F9C];
	s0 =	simm.s32 @p1 $0x1  }
0x15: {  	[smem:$0x3FB9] =	sst s0;
	s0 =	simm.s32 @!p2 $0x0  }
0x16: {  	s3 =	sld [smem:$0x3FDB];
	s0 =	simm.s32 @p2 $0x1  }
0x17: {  	s4 =	simm.s32 $0x1BF5;
	[smem:$0x3FBB] =	sst s0  }
0x18: {  	s0 =	sld [smem:$0x3F9E];
	_ =	swait.ge [sflag:s4], $0x0  }
0x19: {  	s7 =	sld [smem:$0x3F9F]  }
0x1a: {  	s8 =	sadd.s32 $0xFFFFE003, lr  }
0x1b: {  	s9 =	sadd.s32 $0xFFFFFEF7, lr;
	s5 =	simm.s32 $0xFFFFFFFF;
	p2 =	slt.u32 s8, $0xFFFFF086  }
0x1c: {  	p1 =	slt.u32 s9, $0xF7A;
	s5 =	simm.s32 @!p2 $0x0  }
0x1d: {  	s5 =	simm.s32 @p1 $0x1;
	p0 =	seq.s32 s7, s2  }
0x1e: {  	s7 =	smul.u32 @!p0 $0xF7A, s2;
	p2 =	seq.s32 @!p0 s5, $0x0  }
0x1f: {  	s9 =	smul.u32 $0xF7A, s1;
	s8 =	simm.s32 @!p0 $0x1BF5;
	p2 =	por !p2, p0  }
0x20: {  	[sflag:s8] =	ssyncset.s32 @!p0 $0xFFFFF086;
	s6 =	sadd.s32 @!p0 s3, s7;
	s7 =	simm.s32 @!p0 $0x108  }
0x21: {  	s3 =	sadd.s32 s3, s9;
	s6 =	sadd.s32 @!p0 $0x88, s6;
	s7 =	simm.s32 @p2 $0x1082  }
0x22: {  	[simem:s7], [sflag:s8] =	dma.local @!p0 [hbm:s6], $0xF7A  }
0x23: {  	s9 =	sor.u32 $0xD0000000, s2;
	s6 =	simm.s32 $0x108;
	_ =	swait.ge @!p0 [sflag:s8], $0x0  }
0x24: {  	s3 =	sadd.s32 $0x88, s3;
	s6 =	simm.s32 @!p1 $0x1082;
	[sflag:s4] =	ssyncset.s32 $0xFFFFF086  }
0x25: {  	[simem:s6], [sflag:s4] =	dma.local [hbm:s3], $0xF7A  }
0x26: {  	[smem:$0x3F9F] =	sst s1;
	(tag) =	ssettag s2;
	_ =	strace s9  }
0x27: {  	s1 =	sld [smem:$0x3FAF]  }
0x28: {  	s2 =	sld [smem:$0x3FB0]  }
0x29: {  	s4 =	sld [smem:$0x3FB2]  }
0x2a: {  	p0 =	seq.s32 s5, $0x0;
	s5 =	sld [smem:$0x3FB3]  }
0x2b: {  	s6 =	sld [smem:$0x3FB4]  }
0x2c: {  	s7 =	sld [smem:$0x3FB5]  }
0x2d: {  	s3 =	simm.s32 $0x108;
	s8 =	sld [smem:$0x3FB6]  }
0x2e: {  	s3 =	simm.s32 @!p0 $0x1082;
	s9 =	sld [smem:$0x3FB7]  }
0x2f: {  	lr =	sadd.s32 s0, s3;
	s0 =	sld [smem:$0x3FAE]  }
0x30: {  	s3 =	sld [smem:$0x3FB1]  }
0x31: {  	[smem:$0x3FBA] =	sst s10  }
0x32: {  	s10 =	sld [smem:$0x3FB8];
	_ =	sdelay $0x3  }
0x33: {  	p0 =	seq.s32 s10, $0x1;
	s10 =	sld [smem:$0x3FBA];
	_ =	sdelay $0x3  }
0x34: {  	[smem:$0x3FBA] =	sst s10  }
0x35: {  	s10 =	sld [smem:$0x3FB9];
	_ =	sdelay $0x3  }
0x36: {  	p1 =	seq.s32 s10, $0x1;
	s10 =	sld [smem:$0x3FBA];
	_ =	sdelay $0x3  }
0x37: {  	[smem:$0x3FBA] =	sst s10  }
0x38: {  	s10 =	sld [smem:$0x3FBB]  }
0x39: {  	_ = 	snop;
	(pc) =	sbr.ind lr, $3  }
0x3a: {  	_ = 	snop  }
0x3b: {  	_ = 	snop  }
0x3c: {  	p2 =	seq.s32 s10, $0x1;
	s10 =	sld [smem:$0x3FBA]  }
0x3d: {  	_ =	shalt  }
0x3e: {  	_ =	shalt  }
0x3f: {  	_ =	shalt  }
0x40: {  	_ =	shalt  }
0x41: {  	_ =	shalt  }
0x42: {  	_ =	shalt  }
0x43: {  	_ =	shalt  }
0x44: {  	_ =	shalt  }
0x45: {  	_ =	shalt  }
0x46: {  	_ =	shalt  }
0x47: {  	_ =	shalt  }
0x48: {  	_ =	shalt  }
0x49: {  	_ =	shalt  }
0x4a: {  	_ =	shalt  }
0x4b: {  	_ =	shalt  }
0x4c: {  	_ =	shalt  }
0x4d: {  	_ =	shalt  }
0x4e: {  	_ =	shalt  }
0x4f: {  	_ =	shalt  }
0x50: {  	_ =	shalt  }
0x51: {  	_ =	shalt  }
0x52: {  	_ =	shalt  }
0x53: {  	_ =	shalt  }
0x54: {  	_ =	shalt  }
0x55: {  	_ =	shalt  }
0x56: {  	_ =	shalt  }
0x57: {  	_ =	shalt  }
0x58: {  	_ =	shalt  }
0x59: {  	_ =	shalt  }
0x5a: {  	_ =	shalt  }
0x5b: {  	_ =	shalt  }
0x5c: {  	_ =	shalt  }
0x5d: {  	_ =	shalt  }
0x5e: {  	_ =	shalt  }
0x5f: {  	_ =	shalt  }
0x60: {  	_ =	shalt  }
0x61: {  	_ =	shalt  }
0x62: {  	_ =	shalt  }
0x63: {  	_ =	shalt  }
0x64: {  	_ =	shalt  }
0x65: {  	_ =	shalt  }
0x66: {  	_ =	shalt  }
0x67: {  	_ =	shalt  }
0x68: {  	_ =	shalt  }
0x69: {  	_ =	shalt  }
0x6a: {  	_ =	shalt  }
0x6b: {  	_ =	shalt  }
0x6c: {  	_ =	shalt  }
0x6d: {  	_ =	shalt  }
0x6e: {  	_ =	shalt  }
0x6f: {  	_ =	shalt  }
0x70: {  	_ =	shalt  }
0x71: {  	_ =	shalt  }
0x72: {  	_ =	shalt  }
0x73: {  	_ =	shalt  }
0x74: {  	_ =	shalt  }
0x75: {  	_ =	shalt  }
0x76: {  	_ =	shalt  }
0x77: {  	_ =	shalt  }
0x78: {  	_ =	shalt  }
0x79: {  	_ =	shalt  }
0x7a: {  	_ =	shalt  }
0x7b: {  	_ =	shalt  }
0x7c: {  	_ =	shalt  }
0x7d: {  	_ =	shalt  }
0x7e: {  	_ =	shalt  }
0x7f: {  	_ =	shalt  }
0x80: {  	_ =	shalt  }
0x81: {  	_ =	shalt  }
0x82: {  	_ =	shalt  }
0x83: {  	_ =	shalt  }
0x84: {  	_ =	shalt  }
0x85: {  	_ =	shalt  }
0x86: {  	_ =	shalt  }
0x87: {  	_ =	shalt  }
.Lfunc_end0:
.L_simem_size_0:
called_computation_lowered:
.L_overlay_start_0:
0x88: {  	s2 =	sld [smem:$0x3FD9]  }
0x89: {  	s3 =	sld [smem:$0x3FFE];
	_ =	sdelay $0x1  }
0x8a: {  	s1 =	srdreg.scid  }
0x8b: {  	s0 =	sand.u32 $0x1, s1  }
0x8c: {  	s14 =	sshll.u32 s0, $0xA;
	s2 =	sadd.s32 s3, s2  }
0x8d: {  	s2 =	sadd.s32 s2, s14  }
0x8e: {  	[smem:$0x3FC6] =	sst s2  }
0x8f: {  	_ = 	snop  }
0x90: {  	s2 =	sld [smem:$0x3FD0];
	_ =	sdelay $0x2  }
0x91: {  	s15 =	simm.s32 $0xA;
	s4 =	simm.s32 $0x10  }
0x92: {  	[smem:s4], [sflag:s15] =	dma.local [hbm:s2], $0x1  }
0x93: {  	_ =	swait.eq [sflag:s15], $0x1  }
0x94: {  	[sflag:s15] =	ssyncset.done $0x0  }
0x95: {  	s16 =	sld [smem:$0x10];
	[sflag:s15] =	ssyncadd.s32 $0xFFFFFFFF  }
0x96: {  	s17 =	sld [smem:$0x11];
	(tm) =	ssettm $0x1  }
0x97: {  	s18 =	sld [smem:$0x3FFB];
	_ =	sdelay $0x3  }
0x98: {  	_ =	strace s18  }
0x99: {  	s4 =	sld [smem:$0x3FFC];
	_ =	sdelay $0x3  }
0x9a: {  	_ =	strace s4  }
0x9b: {  	s4 =	sld [smem:$0x3FFD];
	_ =	sdelay $0x3  }
0x9c: {  	_ =	strace s4  }
0x9d: {  	_ =	strace $0x8FFFFFFF  }
0x9e: {  	s19 =	sld [smem:$0x3FDB];
	_ =	sdelay $0x1  }
0x9f: {  	s5 =	simm.s32 $_scs_section_size  }
0xa0: {  	s6 =	simm.s32 $_size__tile_overlayer_lowered;
	s7 =	simm.s32 $_tile_overlayer_lowered  }
0xa1: {  	s22 =	simm.s32 $0x1BFF;
	s21 =	sshll.u32 s7, $0x1;
	s4 =	sadd.s32 s5, s19  }
0xa2: {  	s8 =	simm.s32 $0x0;
	s20 =	sshll.u32 s6, $0x1;
	s6 =	sadd.s32 s21, s4  }
0xa3: {  	[timem:s8], [sflag:s22] =	dma.local [hbm:s6], s20  }
0xa4: {  	_ =	swait.ge [sflag:s22], s20  }
0xa5: {  	s5 =	ssub.s32 $0x0, s20;
	[sflag:s22] =	ssyncset.done $0x0  }
0xa6: {  	[sflag:s22] =	ssyncadd.s32 s5;
	_ =	sdelay $0x1  }
0xa7: {  	s23 =	simm.s32 $0x1B8B  }
0xa8: {  	_ =	swait.ge [sflag:s23], $0x1  }
0xa9: {  	[sflag:s23] =	ssyncset.done $0x0  }
0xaa: {  	s25 =	simm.s32 $0x1B8E;
	s24 =	sld [smem:$0x3FFE];
	[sflag:s23] =	ssyncadd.s32 $0xFFFFFFFF  }
0xab: {  	s26 =	simm.s32 $execute0_lowered;
	[smem:$0x3FD2] =	sst s25  }
0xac: {  	s6 =	sshll.u32 s26, $0x1;
	_ =	strace $0x80000046;
	[dreg:$0x1] =	wrdreg $0xFFFFFFFF  }
0xad: {  	s28 =	simm.s32 $_size_execute0_lowered;
	s4 =	sadd.s32 s4, s6;
	[dreg:$0x0] =	wrdreg $0x0  }
0xae: {  	s6 =	sshll.u32 s28, $0x1;
	[dreg:$0x2] =	wrdreg s4  }
0xaf: {  	[dreg:$0x3] =	wrdreg s6  }
0xb0: {  	[dreg:$0x4] =	wrdreg $0xC0  }
0xb1: {  	_ =	task [dreg:s8], $0x5FFFF  }
0xb2: {  	[dreg:$0x1] =	wrdreg $0xFFFFFFFF  }
0xb3: {  	[dreg:$0x0] =	wrdreg $0x60  }
0xb4: {  	[dreg:$0x2] =	wrdreg s16  }
0xb5: {  	[dreg:$0x3] =	wrdreg s24  }
0xb6: {  	[dreg:$0x4] =	wrdreg s17  }
0xb7: {  	[dreg:$0x5] =	wrdreg $0x9  }
0xb8: {  	_ =	task.clear_ibuf [dreg:s8], $0x6FFFF;
	_ =	strace $0x90000046  }
0xb9: {  	s29 =	simm.s32 $0x9;
	_ =	strace $0x80000048  }
0xba: {  	_ =	swait.ge [sflag:s29], $0x1  }
0xbb: {  	[sflag:s29] =	ssyncadd.s32 $0xFFFFFFFF  }
0xbc: {  	_ =	strace $0x90000048  }
0xbd: {  	_ =	sfence  }
0xbe: {  	s30 =	sld [smem:$0x0];
	_ =	sdelay $0x2  }
0xbf: {  	s31 =	sshll.u32 s1, $0xD;
	s1 =	sshrl.u32 s1, $0x2  }
0xc0: {  	s3 =	sand.u32 $0x4000, s31;
	s1 =	sadd.s32 s1, s30  }
0xc1: {  	s0 =	sor.u32 s3, s0;
	s1 =	sshll.u32 s1, $0x11  }
0xc2: {  	s0 =	sor.u32 s1, s0  }
0xc3: {  	s0 =	sadd.s32 $0x8F2B, s0  }
0xc4: {  	[sflag:s0] =	ssyncadd.remote.s32 $0x1  }
0xc5: {  	_ =	sfence.sel $0xFFFF  }
0xc6: {  	[dreg:$0x0] =	wrdreg $0xFFFFFFFF;
	(pc) =	sbr.abs _section_cstart, $3  }
0xc7: {  	[dreg:$0x1] =	wrdreg $0xFFFFFFFF  }
0xc8: {  	_ =	task.clear_ibuf [dreg:s8], $0x2FFFF;
	_ =	strace $0x9FFFFFFF  }
0xc9: {  	(tm) =	ssettm $0x7FFFFFFF  }
tec
execute0_lowered:
.L_overlay_start_1:
0x0: {  	(tag) =	ssettag $0x1  }
0x1: {  	s2 =	srdreg.scid  }
0x2: {  	s1 =	rddreg [dreg:$0x0];
	s0 =	stileid.u32;
	s17 =	sand.u32 $0x1, s2  }
0x3: {  	s18 =	rddreg [dreg:$0x1];
	s30 =	sshll.u32 s0, $0xA;
	s3 =	sshll.u32 s17, $0x9  }
0x4: {  	s19 =	rddreg [dreg:$0x2];
	s20 =	sor.u32 s3, s30  }
0x5: {  	s2 =	rddreg [dreg:$0x3];
	s3 =	simm.s32 $0x0;
	s4 =	sshrl.u32 s20, $0x3  }
0x6: {  	[smem:$0x7FF] =	sst s3;
	s10 =	sadd.s32 s4, s18  }
0x7: {  	_ =	strace $0x80000047;
	s4 =	simm.s32 $0x2;
	s5 =	sadd.s32 $0xE00, s10  }
0x8: {  	[tilespmem:s3], [sflag:$0x2] =	stream.linear.gather [hbm4b:s5+s3], $0x80, $0x38;
	[tilespmem:$0x8200] =	vst v63  }
0x9: {  	_ =	swait.ge [sflag:s4], $0x80  }
0xa: {  	[sflag:s4] =	ssyncset.done $0x0  }
0xb: {  	s7 =	simm.s32 $0x80;
	s6 =	sadd.s32 $0xE10, s10;
	[sflag:s4] =	ssyncadd.s32 $0xFFFFFF80  }
0xc: {  	[tilespmem:s7], [sflag:$0x2] =	stream.linear.gather [hbm4b:s6+s3], $0x80, $0x38;
	[tilespmem:$0x8200] =	vst v63  }
0xd: {  	_ =	swait.ge [sflag:s4], $0x80  }
0xe: {  	[sflag:s4] =	ssyncset.done $0x0  }
0xf: {  	s9 =	simm.s32 $0x100;
	s8 =	sadd.s32 $0xE20, s10;
	[sflag:s4] =	ssyncadd.s32 $0xFFFFFF80  }
0x10: {  	[tilespmem:s9], [sflag:$0x2] =	stream.linear.gather [hbm4b:s8+s3], $0x80, $0x38;
	[tilespmem:$0x8200] =	vst v63  }
0x11: {  	_ =	swait.ge [sflag:s4], $0x80  }
0x12: {  	[sflag:s4] =	ssyncset.done $0x0  }
0x13: {  	s11 =	simm.s32 $0x180;
	s10 =	sadd.s32 $0xE30, s10;
	[sflag:s4] =	ssyncadd.s32 $0xFFFFFF80  }
0x14: {  	[tilespmem:s11], [sflag:$0x2] =	stream.linear.gather [hbm4b:s10+s3], $0x80, $0x38;
	[tilespmem:$0x8200] =	vst v63  }
0x15: {  	_ =	swait.ge [sflag:s4], $0x80  }
0x16: {  	[sflag:s4] =	ssyncset.done $0x0  }
0x17: {  	s12 =	simm.s32 $0x200;
	[sflag:s4] =	ssyncadd.s32 $0xFFFFFF80  }
0x18: {  	[tilespmem:s12], [sflag:$0x1] =	stream.indirect.gather [hbm4b:s1+s7], $0x40, s3, s7, $0xb8;
	[tilespmem:$0x8200] =	vst v63  }
0x19: {  	s13 =	simm.s32 $0x2200  }
0x1a: {  	[tilespmem:s13], [sflag:$0x1] =	stream.indirect.gather [hbm4b:s1+s7], $0x40, s7, s7, $0xb8;
	[tilespmem:$0x8200] =	vst v63  }
0x1b: {  	s14 =	simm.s32 $0x4200  }
0x1c: {  	[tilespmem:s14], [sflag:$0x1] =	stream.indirect.gather [hbm4b:s1+s7], $0x40, s9, s7, $0xb8;
	[tilespmem:$0x8200] =	vst v63  }
0x1d: {  	s15 =	simm.s32 $0x6200;
	s16 =	simm.s32 $0x1  }
0x1e: {  	[tilespmem:s15], [sflag:$0x1] =	stream.indirect.gather [hbm4b:s1+s7], $0x40, s11, s7, $0xb8;
	[tilespmem:$0x8200] =	vst v63  }
0x1f: {  	_ =	swait.ge [sflag:s16], $0x2000  }
0x20: {  	[sflag:s16] =	ssyncset.done $0x0  }
0x21: {  	[sflag:s16] =	ssyncadd.s32 $0xFFFFE000  }
0x22: {  	_ =	swait.ge [sflag:s16], $0x2000  }
0x23: {  	[sflag:s16] =	ssyncset.done $0x0  }
0x24: {  	[sflag:s16] =	ssyncadd.s32 $0xFFFFE000  }
0x25: {  	_ =	swait.ge [sflag:s16], $0x2000  }
0x26: {  	[sflag:s16] =	ssyncset.done $0x0  }
0x27: {  	s21 =	ssub.s32 $0x2, s17;
	[sflag:s16] =	ssyncadd.s32 $0xFFFFE000  }
0x28: {  	s31 =	sshrl.u32 s21, $0x1;
	s20 =	sshll.u32 s20, $0x3;
	_ =	swait.ge [sflag:s16], $0x2000  }
0x29: {  	s17 =	sadd.s32 s19, s20;
	s19 =	ssub.s32 s21, s31;
	[sflag:s16] =	ssyncset.done $0x0  }
0x2a: {  	s19 =	smax.u32 s19, $0x1;
	[sflag:s16] =	ssyncadd.s32 $0xFFFFE000  }
0x2b: {  	[hbm4b:s17+s3] =	stream.linear.scatter [tilespmem:s12], [sflag:$0x2], $0x8000, $0x38;
	[tilespmem:$0x8200] =	vst v63  }
0x2c: {  	p0 =	sne.s32 s19, $0x1;
	_ =	swait.ge [sflag:s4], $0x8000  }
.Ltmp0:
0x2d: {  	s18 =	sadd.s32 s20, s18;
	[sflag:s4] =	ssyncset.done $0x0;
	(pc) =	sbr.rel @!p0 .LBB2_2-.Ltmp0, $4  }
0x2e: {  	s18 =	sadd.s32 $0x1600, s18;
	[sflag:s4] =	ssyncadd.s32 $0xFFFF8000  }
0x2f: {  	[hbm4b:s18+s3] =	stream.linear.scatter [tilespmem:s12], [sflag:$0x2], $0x8000, $0x38;
	[tilespmem:$0x8200] =	vst v63  }
0x30: {  	_ =	swait.ge [sflag:s4], $0x8000  }
0x31: {  	s19 =	sadd.s32 $0xFFFFFFFF, s19;
	[sflag:s4] =	ssyncset.done $0x0  }
.LBB2_1:
0x32: {  	p0 =	sne.s32 s19, $0x1;
	s19 =	sadd.s32 $0xFFFFFFFF, s19;
	[sflag:s4] =	ssyncadd.s32 $0xFFFF8000  }
0x33: {  	[tilespmem:s3], [sflag:$0x2] =	stream.linear.gather [hbm4b:s5+s3], $0x80, $0x38;
	[tilespmem:$0x8200] =	vst v63  }
0x34: {  	_ =	swait.ge [sflag:s4], $0x80  }
0x35: {  	[sflag:s4] =	ssyncset.done $0x0  }
0x36: {  	[sflag:s4] =	ssyncadd.s32 $0xFFFFFF80  }
0x37: {  	[tilespmem:s7], [sflag:$0x2] =	stream.linear.gather [hbm4b:s6+s3], $0x80, $0x38;
	[tilespmem:$0x8200] =	vst v63  }
0x38: {  	_ =	swait.ge [sflag:s4], $0x80  }
0x39: {  	[sflag:s4] =	ssyncset.done $0x0  }
0x3a: {  	[sflag:s4] =	ssyncadd.s32 $0xFFFFFF80  }
0x3b: {  	[tilespmem:s9], [sflag:$0x2] =	stream.linear.gather [hbm4b:s8+s3], $0x80, $0x38;
	[tilespmem:$0x8200] =	vst v63  }
0x3c: {  	_ =	swait.ge [sflag:s4], $0x80  }
0x3d: {  	[sflag:s4] =	ssyncset.done $0x0  }
0x3e: {  	[sflag:s4] =	ssyncadd.s32 $0xFFFFFF80  }
0x3f: {  	[tilespmem:s11], [sflag:$0x2] =	stream.linear.gather [hbm4b:s10+s3], $0x80, $0x38;
	[tilespmem:$0x8200] =	vst v63  }
0x40: {  	_ =	swait.ge [sflag:s4], $0x80  }
0x41: {  	[sflag:s4] =	ssyncset.done $0x0  }
0x42: {  	[sflag:s4] =	ssyncadd.s32 $0xFFFFFF80  }
0x43: {  	[tilespmem:s12], [sflag:$0x1] =	stream.indirect.gather [hbm4b:s1+s7], $0x40, s3, s7, $0xb8;
	[tilespmem:$0x8200] =	vst v63  }
0x44: {  	_ = 	snop  }
0x45: {  	[tilespmem:s13], [sflag:$0x1] =	stream.indirect.gather [hbm4b:s1+s7], $0x40, s7, s7, $0xb8;
	[tilespmem:$0x8200] =	vst v63  }
0x46: {  	_ = 	snop  }
0x47: {  	[tilespmem:s14], [sflag:$0x1] =	stream.indirect.gather [hbm4b:s1+s7], $0x40, s9, s7, $0xb8;
	[tilespmem:$0x8200] =	vst v63  }
0x48: {  	_ = 	snop  }
0x49: {  	[tilespmem:s15], [sflag:$0x1] =	stream.indirect.gather [hbm4b:s1+s7], $0x40, s11, s7, $0xb8;
	[tilespmem:$0x8200] =	vst v63  }
0x4a: {  	_ =	swait.ge [sflag:s16], $0x2000  }
0x4b: {  	[sflag:s16] =	ssyncset.done $0x0  }
0x4c: {  	[sflag:s16] =	ssyncadd.s32 $0xFFFFE000  }
0x4d: {  	_ =	swait.ge [sflag:s16], $0x2000  }
0x4e: {  	[sflag:s16] =	ssyncset.done $0x0  }
0x4f: {  	[sflag:s16] =	ssyncadd.s32 $0xFFFFE000  }
0x50: {  	_ =	swait.ge [sflag:s16], $0x2000  }
0x51: {  	[sflag:s16] =	ssyncset.done $0x0  }
0x52: {  	[sflag:s16] =	ssyncadd.s32 $0xFFFFE000  }
0x53: {  	_ =	swait.ge [sflag:s16], $0x2000  }
0x54: {  	[sflag:s16] =	ssyncset.done $0x0  }
0x55: {  	[sflag:s16] =	ssyncadd.s32 $0xFFFFE000  }
0x56: {  	[hbm4b:s17+s3] =	stream.linear.scatter [tilespmem:s12], [sflag:$0x2], $0x8000, $0x38;
	[tilespmem:$0x8200] =	vst v63  }
0x57: {  	_ =	swait.ge [sflag:s4], $0x8000  }
.Ltmp1:
0x58: {  	[sflag:s4] =	ssyncset.done $0x0;
	(pc) =	sbr.rel @p0 .LBB2_1-.Ltmp1, $4  }
0x59: {  	[sflag:s4] =	ssyncadd.s32 $0xFFFF8000  }
0x5a: {  	[hbm4b:s18+s3] =	stream.linear.scatter [tilespmem:s12], [sflag:$0x2], $0x8000, $0x38;
	[tilespmem:$0x8200] =	vst v63  }
0x5b: {  	_ =	swait.ge [sflag:s4], $0x8000  }
0x5c: {  	[sflag:s4] =	ssyncset.done $0x0  }
.LBB2_2:
0x5d: {  	[sflag:s4] =	ssyncadd.s32 $0xFFFF8000  }
0x5e: {  	_ =	sfence.sel $0x180000  }
0x5f: {  	[bflag:$0x0] =	sbarrier.arrive $0xFFFF  }
0x60: {  	p0 =	sne.s32 s0, $0x0;
	_ =	strace $0x90000047  }
0x61: {  	s0 =	sadd.s32 @!p0 $0x100000, s2;
	[bflag:$0x2] =	sbarrier.arrive $0xFFFF  }
0x62: {  	[sflag:s0] =	ssyncadd.tile.s32 @!p0 $0x1;
	_ =	shalt  }
.Lfunc_end2:
_tile_overlayer_lowered:
.L_overlay_start_2:
0x63: {  	(tag) =	ssettag $0x2  }
0x64: {  	s0 =	rddreg [dreg:$0x0];
	s2 =	stileid.u32  }
0x65: {  	s1 =	rddreg [dreg:$0x1];
	p0 =	sne.s32 s2, $0x0  }
0x66: {  	s3 =	rddreg [dreg:$0x2];
	[bflag:$0x3] =	sbarrier.arrive $0xFFFF;
	s2 =	simm.s32 @!p0 $0x1C02  }
0x67: {  	[timem:s3], [sflag:s2] =	dma.local @!p0 [hbm:s0], s1  }
0x68: {  	s0 =	simm.s32 @!p0 $0x2  }
0x69: {  	_ =	swait.ge @!p0 [sflag:s0], s1  }
0x6a: {  	s1 =	ssub.s32 @!p0 $0x0, s1;
	[sflag:s0] =	ssyncset.done @!p0 $0x0  }
0x6b: {  	[sflag:s0] =	ssyncadd.s32 @!p0 s1  }
0x6c: {  	[bflag:$0x3] =	sbarrier.arrive $0xFFFF  }
0x6d: {  	_ =	shalt  }

</sc_bundles>
